<compile_context>
chip_gen: v7x
topology: tpu7x:2x2x1
jax: 0.10.2.dev20260603
libtpu: 0.0.44.dev20260713+nightly
codegen_flags: <defaults>
</compile_context>

<pallas_src>
import functools

import jax
import jax.numpy as jnp
from jax import lax
from jax.experimental import pallas as pl
from jax.experimental.pallas import tpu as pltpu
from jax.experimental.pallas import tpu_sc as plsc

NUM_E = 8192
DIM = 32
ROW_BLOCK = 512
WINDOW = 1024

_NC = 2
_NS = 16
_NW = _NC * _NS
_CHUNK = 128
_CHUNKS_PER_W = NUM_E // (_NW * _CHUNK)


def _argmin_body(x_ref, w_ref, a_ref, b_ref, idx_ref):
    x = x_ref[...]
    xb = (2.0 * x).astype(jnp.bfloat16)
    a = a_ref[...]

    lvs, ivs = [], []
    col = lax.broadcasted_iota(jnp.int32, (ROW_BLOCK, WINDOW), 1)
    for wnd in range(NUM_E // WINDOW):
        wb = w_ref[pl.ds(wnd * WINDOW, WINDOW), :].astype(jnp.bfloat16)
        m = lax.dot_general(xb, wb, (((1,), (1,)), ((), ())),
                            preferred_element_type=jnp.float32)
        dw = (a + b_ref[:, pl.ds(wnd * WINDOW, WINDOW)]) - m
        mn = jnp.min(dw, axis=-1, keepdims=True)
        ix = jnp.min(jnp.where(dw == mn, col, NUM_E), axis=-1) + wnd * WINDOW
        lvs.append(mn[:, 0])
        ivs.append(ix)

    pvs, pis = [], []
    for k in range(4):
        c = lvs[2 * k + 1] < lvs[2 * k]
        pvs.append(jnp.where(c, lvs[2 * k + 1], lvs[2 * k]))
        pis.append(jnp.where(c, ivs[2 * k + 1], ivs[2 * k]))

    acc_v = pvs[0].astype(jnp.bfloat16).astype(jnp.float32)
    acc_i = pis[0]
    for k in range(1, 4):
        upd = pvs[k] < acc_v
        acc_v = jnp.where(upd, pvs[k].astype(jnp.bfloat16).astype(jnp.float32),
                          acc_v)
        acc_i = jnp.where(upd, pis[k], acc_i)

    idx_ref[0, 0, :] = acc_i.astype(jnp.int32)


def _propose(flat, w, a, b):
    n_blocks = NUM_E // ROW_BLOCK
    idx3 = pl.pallas_call(
        _argmin_body,
        grid=(n_blocks,),
        in_specs=[
            pl.BlockSpec((ROW_BLOCK, DIM), lambda i: (i, 0)),
            pl.BlockSpec((NUM_E, DIM), lambda i: (0, 0)),
            pl.BlockSpec((ROW_BLOCK, 1), lambda i: (i, 0)),
            pl.BlockSpec((1, NUM_E), lambda i: (0, 0)),
        ],
        out_specs=pl.BlockSpec((1, 1, ROW_BLOCK), lambda i: (i, 0, 0)),
        out_shape=jax.ShapeDtypeStruct((n_blocks, 1, ROW_BLOCK), jnp.int32),
        compiler_params=pltpu.CompilerParams(
            dimension_semantics=("parallel",),
        ),
    )(flat, w, a, b)
    return idx3.reshape(-1)


@functools.cache
def _make_sc_gather():
    @functools.partial(
        pl.kernel,
        out_type=jax.ShapeDtypeStruct((NUM_E, DIM), jnp.float32),
        mesh=plsc.VectorSubcoreMesh(core_axis_name="c", subcore_axis_name="s"),
        scratch_types=[
            pltpu.VMEM((_CHUNK,), jnp.int32),
            pltpu.VMEM((_CHUNK, DIM), jnp.float32),
            pltpu.SemaphoreType.DMA,
        ],
        compiler_params=pltpu.CompilerParams(use_tc_tiling_on_sc=False),
    )
    def _sc_gather(w_hbm, idx_hbm, out_hbm, idx_v, rows_v, sem):
        wid = lax.axis_index("s") * _NC + lax.axis_index("c")
        for j in range(_CHUNKS_PER_W):
            row = wid * _CHUNKS_PER_W + j
            pltpu.sync_copy(idx_hbm.at[row], idx_v)
            pltpu.async_copy(w_hbm.at[idx_v], rows_v, sem).wait()
            pltpu.sync_copy(rows_v, out_hbm.at[pl.ds(row * _CHUNK, _CHUNK)])

    return _sc_gather


def kernel(input, W):
    shape = input.shape
    flat = input.reshape(-1, shape[-1])
    a = jnp.sum(input * input, axis=2).reshape(-1, 1)
    b = jnp.sum(W * W, axis=1).reshape(1, -1)
    proposal = _propose(flat, W, a, b)
    idx2 = proposal.reshape(NUM_E // _CHUNK, _CHUNK)
    quantized = _make_sc_gather()(W, idx2)
    return (quantized.reshape(shape), proposal.reshape(shape[:-1]))

# --- scband reference (transcript-rebuilt; emitter-appended) ---
"""Pipeline reference for scband-vector-quantizer-3169685864512 (READ-ONLY COPY).

The authoritative reference and input builder live on the scoring server;
editing this copy changes nothing except your own understanding.
"""

import jax, jax.numpy as jnp
import numpy as np

NUM_EMBEDDINGS = 8192
EMBEDDING_DIM = 32

def setup_inputs(seed: int = 0) -> dict:
    key = jax.random.key(seed)
    k1, k2 = jax.random.split(key)
    x = jax.random.normal(k1, (8, 1024, EMBEDDING_DIM), dtype=jnp.float32)
    scale = 1.0 / NUM_EMBEDDINGS
    W = jax.random.uniform(k2, (NUM_EMBEDDINGS, EMBEDDING_DIM), minval=-scale, maxval=scale, dtype=jnp.float32)
    return {"input": x, "W": W}

def reference(input, W):
    input_shape = input.shape
    flat = input.reshape(-1, input_shape[-1])
    distances = jnp.sum(flat ** 2, axis=1, keepdims=True)
    distances = distances + jnp.sum(W ** 2, axis=1)
    distances = distances - 2.0 * flat @ W.T
    proposal = jnp.argmin(distances, axis=-1).reshape(input_shape[:-1])
    quantized = jnp.take(W, proposal, axis=0)
    return (quantized, proposal)

if __name__ == "__main__":
    import jax
    _d = setup_inputs()
    print(jax.jit(kernel)(*tuple(_d.values())))

</pallas_src>

<mosaic_0001>
#map = affine_map<(d0, d1) -> (0, 0)>
module attributes {stable_mosaic.version = 14 : i64} {
  func.func @_sc_gather(%arg0: i32, %arg1: i32, %arg2: memref<8192x32xf32, #tpu.memory_space<hbm>>, %arg3: memref<64x128xi32, #tpu.memory_space<hbm>>, %arg4: memref<8192x32xf32, #tpu.memory_space<hbm>>, %arg5: memref<128xi32, #tpu.memory_space<vmem>>, %arg6: memref<128x32xf32, #tpu.memory_space<vmem>>, %arg7: memref<!tpu.dma_semaphore, #tpu.memory_space<semaphore_mem>>) attributes {dimension_semantics = [#tpu.dimension_semantics<core_parallel>, #tpu.dimension_semantics<subcore_parallel>], iteration_bounds = array<i64: 2, 16>, scalar_prefetch = 0 : i64, scratch_operands = 3 : i64, tpu.core_type = #tpu.core_type<sc_vector_subcore>, window_params = [{transform_indices = #map}, {transform_indices = #map}, {transform_indices = #map}]} {
    %mul3A = arith.constant 2 : i32
    %mul3A_0 = arith.muli %arg1, %mul3A : i32
    %add3A = arith.addi %mul3A_0, %arg0 : i32
    %mul3A_1 = arith.constant 2 : i32
    %mul3A_2 = arith.muli %add3A, %mul3A_1 : i32
    %add3A_3 = arith.constant 0 : i32
    %add3A_4 = arith.addi %mul3A_2, %add3A_3 : i32
    "tpu.region"() ({
      %run_scoped3A = tpu.sem_alloc : memref<!tpu.dma_semaphore, #tpu.memory_space<semaphore_mem>>
      %dma_start3A_23 = arith.constant 0 : i32
      %dma_start3A_24 = tpu.memref_slice %arg3[%add3A_4, %dma_start3A_23] : memref<64x128xi32, #tpu.memory_space<hbm>> -> memref<1x128xi32, #tpu.memory_space<hbm>>
      %dma_start3A_25 = tpu.memref_squeeze %dma_start3A_24 : memref<1x128xi32, #tpu.memory_space<hbm>> -> memref<128xi32, #tpu.memory_space<hbm>>
      %dma_start3A_26 = arith.constant 0 : i32
      %dma_start3A_27 = tpu.memref_slice %arg3[%add3A_4, %dma_start3A_26] : memref<64x128xi32, #tpu.memory_space<hbm>> -> memref<1x128xi32, #tpu.memory_space<hbm>>
      %dma_start3A_28 = tpu.memref_squeeze %dma_start3A_27 : memref<1x128xi32, #tpu.memory_space<hbm>> -> memref<128xi32, #tpu.memory_space<hbm>>
      tpu.enqueue_dma source(%dma_start3A_28 : memref<128xi32, #tpu.memory_space<hbm>>) target(%arg5 : memref<128xi32, #tpu.memory_space<vmem>>) target_semaphore(%run_scoped3A : memref<!tpu.dma_semaphore, #tpu.memory_space<semaphore_mem>>)
      %dma_wait3A_29 = arith.constant 0 : i32
      %dma_wait3A_30 = tpu.memref_slice %arg3[%add3A_4, %dma_wait3A_29] : memref<64x128xi32, #tpu.memory_space<hbm>> -> memref<1x128xi32, #tpu.memory_space<hbm>>
      %dma_wait3A_31 = tpu.memref_squeeze %dma_wait3A_30 : memref<1x128xi32, #tpu.memory_space<hbm>> -> memref<128xi32, #tpu.memory_space<hbm>>
      %dma_wait3A_32 = arith.constant 0 : i32
      %dma_wait3A_33 = tpu.memref_slice %arg3[%add3A_4, %dma_wait3A_32] : memref<64x128xi32, #tpu.memory_space<hbm>> -> memref<1x128xi32, #tpu.memory_space<hbm>>
      %dma_wait3A_34 = tpu.memref_squeeze %dma_wait3A_33 : memref<1x128xi32, #tpu.memory_space<hbm>> -> memref<128xi32, #tpu.memory_space<hbm>>
      tpu.wait_dma2 semaphore(%run_scoped3A : memref<!tpu.dma_semaphore, #tpu.memory_space<semaphore_mem>>) src(%dma_wait3A_34 : memref<128xi32, #tpu.memory_space<hbm>>) dst(%arg5 : memref<128xi32, #tpu.memory_space<vmem>>)
      tpu.yield
    }) : () -> ()
    %dma_start3A = arith.constant 0 : i32
    %dma_start3A_5 = arith.constant 0 : i32
    %dma_start3A_6 = tpu.memref_slice %arg2[%dma_start3A, %dma_start3A_5] : memref<8192x32xf32, #tpu.memory_space<hbm>> -> memref<8192x32xf32, #tpu.memory_space<hbm>>
    tpu.enqueue_indirect_dma source(%dma_start3A_6 : memref<8192x32xf32, #tpu.memory_space<hbm>>) target(%arg6 : memref<128x32xf32, #tpu.memory_space<vmem>>) offsets(%arg5 : memref<128xi32, #tpu.memory_space<vmem>>) semaphore(%arg7 : memref<!tpu.dma_semaphore, #tpu.memory_space<semaphore_mem>>)
    %dma_wait3A = arith.constant 0 : i32
    %dma_wait3A_7 = arith.constant 0 : i32
    %dma_wait3A_8 = tpu.memref_slice %arg2[%dma_wait3A, %dma_wait3A_7] : memref<8192x32xf32, #tpu.memory_space<hbm>> -> memref<8192x32xf32, #tpu.memory_space<hbm>>
    tpu.wait_indirect_dma semaphore(%arg7 : memref<!tpu.dma_semaphore, #tpu.memory_space<semaphore_mem>>) src(%dma_wait3A_8 : memref<8192x32xf32, #tpu.memory_space<hbm>>) dst(%arg6 : memref<128x32xf32, #tpu.memory_space<vmem>>)
    %mul3A_9 = arith.constant 128 : i32
    %mul3A_10 = arith.muli %add3A_4, %mul3A_9 : i32
    "tpu.region"() ({
      %run_scoped3A = tpu.sem_alloc : memref<!tpu.dma_semaphore, #tpu.memory_space<semaphore_mem>>
      %dma_start3A_23 = arith.constant 0 : i32
      %dma_start3A_24 = tpu.memref_slice %arg4[%mul3A_10, %dma_start3A_23] : memref<8192x32xf32, #tpu.memory_space<hbm>> -> memref<128x32xf32, #tpu.memory_space<hbm>>
      %dma_start3A_25 = arith.constant 0 : i32
      %dma_start3A_26 = tpu.memref_slice %arg4[%mul3A_10, %dma_start3A_25] : memref<8192x32xf32, #tpu.memory_space<hbm>> -> memref<128x32xf32, #tpu.memory_space<hbm>>
      tpu.enqueue_dma source(%arg6 : memref<128x32xf32, #tpu.memory_space<vmem>>) target(%dma_start3A_26 : memref<128x32xf32, #tpu.memory_space<hbm>>) target_semaphore(%run_scoped3A : memref<!tpu.dma_semaphore, #tpu.memory_space<semaphore_mem>>)
      %dma_wait3A_27 = arith.constant 0 : i32
      %dma_wait3A_28 = tpu.memref_slice %arg4[%mul3A_10, %dma_wait3A_27] : memref<8192x32xf32, #tpu.memory_space<hbm>> -> memref<128x32xf32, #tpu.memory_space<hbm>>
      %dma_wait3A_29 = arith.constant 0 : i32
      %dma_wait3A_30 = tpu.memref_slice %arg4[%mul3A_10, %dma_wait3A_29] : memref<8192x32xf32, #tpu.memory_space<hbm>> -> memref<128x32xf32, #tpu.memory_space<hbm>>
      tpu.wait_dma2 semaphore(%run_scoped3A : memref<!tpu.dma_semaphore, #tpu.memory_space<semaphore_mem>>) src(%arg6 : memref<128x32xf32, #tpu.memory_space<vmem>>) dst(%dma_wait3A_30 : memref<128x32xf32, #tpu.memory_space<hbm>>)
      tpu.yield
    }) : () -> ()
    %mul3A_11 = arith.constant 2 : i32
    %mul3A_12 = arith.muli %add3A, %mul3A_11 : i32
    %add3A_13 = arith.constant 1 : i32
    %add3A_14 = arith.addi %mul3A_12, %add3A_13 : i32
    "tpu.region"() ({
      %run_scoped3A = tpu.sem_alloc : memref<!tpu.dma_semaphore, #tpu.memory_space<semaphore_mem>>
      %dma_start3A_23 = arith.constant 0 : i32
      %dma_start3A_24 = tpu.memref_slice %arg3[%add3A_14, %dma_start3A_23] : memref<64x128xi32, #tpu.memory_space<hbm>> -> memref<1x128xi32, #tpu.memory_space<hbm>>
      %dma_start3A_25 = tpu.memref_squeeze %dma_start3A_24 : memref<1x128xi32, #tpu.memory_space<hbm>> -> memref<128xi32, #tpu.memory_space<hbm>>
      %dma_start3A_26 = arith.constant 0 : i32
      %dma_start3A_27 = tpu.memref_slice %arg3[%add3A_14, %dma_start3A_26] : memref<64x128xi32, #tpu.memory_space<hbm>> -> memref<1x128xi32, #tpu.memory_space<hbm>>
      %dma_start3A_28 = tpu.memref_squeeze %dma_start3A_27 : memref<1x128xi32, #tpu.memory_space<hbm>> -> memref<128xi32, #tpu.memory_space<hbm>>
      tpu.enqueue_dma source(%dma_start3A_28 : memref<128xi32, #tpu.memory_space<hbm>>) target(%arg5 : memref<128xi32, #tpu.memory_space<vmem>>) target_semaphore(%run_scoped3A : memref<!tpu.dma_semaphore, #tpu.memory_space<semaphore_mem>>)
      %dma_wait3A_29 = arith.constant 0 : i32
      %dma_wait3A_30 = tpu.memref_slice %arg3[%add3A_14, %dma_wait3A_29] : memref<64x128xi32, #tpu.memory_space<hbm>> -> memref<1x128xi32, #tpu.memory_space<hbm>>
      %dma_wait3A_31 = tpu.memref_squeeze %dma_wait3A_30 : memref<1x128xi32, #tpu.memory_space<hbm>> -> memref<128xi32, #tpu.memory_space<hbm>>
      %dma_wait3A_32 = arith.constant 0 : i32
      %dma_wait3A_33 = tpu.memref_slice %arg3[%add3A_14, %dma_wait3A_32] : memref<64x128xi32, #tpu.memory_space<hbm>> -> memref<1x128xi32, #tpu.memory_space<hbm>>
      %dma_wait3A_34 = tpu.memref_squeeze %dma_wait3A_33 : memref<1x128xi32, #tpu.memory_space<hbm>> -> memref<128xi32, #tpu.memory_space<hbm>>
      tpu.wait_dma2 semaphore(%run_scoped3A : memref<!tpu.dma_semaphore, #tpu.memory_space<semaphore_mem>>) src(%dma_wait3A_34 : memref<128xi32, #tpu.memory_space<hbm>>) dst(%arg5 : memref<128xi32, #tpu.memory_space<vmem>>)
      tpu.yield
    }) : () -> ()
    %dma_start3A_15 = arith.constant 0 : i32
    %dma_start3A_16 = arith.constant 0 : i32
    %dma_start3A_17 = tpu.memref_slice %arg2[%dma_start3A_15, %dma_start3A_16] : memref<8192x32xf32, #tpu.memory_space<hbm>> -> memref<8192x32xf32, #tpu.memory_space<hbm>>
    tpu.enqueue_indirect_dma source(%dma_start3A_17 : memref<8192x32xf32, #tpu.memory_space<hbm>>) target(%arg6 : memref<128x32xf32, #tpu.memory_space<vmem>>) offsets(%arg5 : memref<128xi32, #tpu.memory_space<vmem>>) semaphore(%arg7 : memref<!tpu.dma_semaphore, #tpu.memory_space<semaphore_mem>>)
    %dma_wait3A_18 = arith.constant 0 : i32
    %dma_wait3A_19 = arith.constant 0 : i32
    %dma_wait3A_20 = tpu.memref_slice %arg2[%dma_wait3A_18, %dma_wait3A_19] : memref<8192x32xf32, #tpu.memory_space<hbm>> -> memref<8192x32xf32, #tpu.memory_space<hbm>>
    tpu.wait_indirect_dma semaphore(%arg7 : memref<!tpu.dma_semaphore, #tpu.memory_space<semaphore_mem>>) src(%dma_wait3A_20 : memref<8192x32xf32, #tpu.memory_space<hbm>>) dst(%arg6 : memref<128x32xf32, #tpu.memory_space<vmem>>)
    %mul3A_21 = arith.constant 128 : i32
    %mul3A_22 = arith.muli %add3A_14, %mul3A_21 : i32
    "tpu.region"() ({
      %run_scoped3A = tpu.sem_alloc : memref<!tpu.dma_semaphore, #tpu.memory_space<semaphore_mem>>
      %dma_start3A_23 = arith.constant 0 : i32
      %dma_start3A_24 = tpu.memref_slice %arg4[%mul3A_22, %dma_start3A_23] : memref<8192x32xf32, #tpu.memory_space<hbm>> -> memref<128x32xf32, #tpu.memory_space<hbm>>
      %dma_start3A_25 = arith.constant 0 : i32
      %dma_start3A_26 = tpu.memref_slice %arg4[%mul3A_22, %dma_start3A_25] : memref<8192x32xf32, #tpu.memory_space<hbm>> -> memref<128x32xf32, #tpu.memory_space<hbm>>
      tpu.enqueue_dma source(%arg6 : memref<128x32xf32, #tpu.memory_space<vmem>>) target(%dma_start3A_26 : memref<128x32xf32, #tpu.memory_space<hbm>>) target_semaphore(%run_scoped3A : memref<!tpu.dma_semaphore, #tpu.memory_space<semaphore_mem>>)
      %dma_wait3A_27 = arith.constant 0 : i32
      %dma_wait3A_28 = tpu.memref_slice %arg4[%mul3A_22, %dma_wait3A_27] : memref<8192x32xf32, #tpu.memory_space<hbm>> -> memref<128x32xf32, #tpu.memory_space<hbm>>
      %dma_wait3A_29 = arith.constant 0 : i32
      %dma_wait3A_30 = tpu.memref_slice %arg4[%mul3A_22, %dma_wait3A_29] : memref<8192x32xf32, #tpu.memory_space<hbm>> -> memref<128x32xf32, #tpu.memory_space<hbm>>
      tpu.wait_dma2 semaphore(%run_scoped3A : memref<!tpu.dma_semaphore, #tpu.memory_space<semaphore_mem>>) src(%arg6 : memref<128x32xf32, #tpu.memory_space<vmem>>) dst(%dma_wait3A_30 : memref<128x32xf32, #tpu.memory_space<hbm>>)
      tpu.yield
    }) : () -> ()
    return
  }
}

module attributes {stable_mosaic.version = 14 : i64} {
  func.func @_argmin_body(%arg0: i32, %arg1: memref<512x32xf32, #tpu.memory_space<vmem>>, %arg2: memref<8192x32xf32, #tpu.memory_space<vmem>>, %arg3: memref<512x1xf32, #tpu.memory_space<vmem>>, %arg4: memref<1x8192xf32, #tpu.memory_space<vmem>>, %arg5: memref<1x1x512xi32, #tpu.memory_space<vmem>>) attributes {dimension_semantics = [#tpu.dimension_semantics<parallel>], iteration_bounds = array<i64: 16>, scalar_prefetch = 0 : i64, scratch_operands = 0 : i64, tpu.core_type = #tpu.core_type<tc>, window_params = [{transform_indices = @transform_0, window_bounds = array<i64: 512, 32>}, {pipeline_mode = #tpu.pipeline_mode<synchronous>, transform_indices = @transform_1, window_bounds = array<i64: 8192, 32>}, {transform_indices = @transform_2, window_bounds = array<i64: 512, 1>}, {pipeline_mode = #tpu.pipeline_mode<synchronous>, transform_indices = @transform_3, window_bounds = array<i64: 1, 8192>}, {transform_indices = @transform_4, window_bounds = array<i64: 1, 1, 512>}]} {
    %get3A = arith.constant 0 : index
    %get3A_0 = arith.constant 0 : index
    %get3A_1 = vector.load %arg1[%get3A, %get3A_0] : memref<512x32xf32, #tpu.memory_space<vmem>>, vector<512x32xf32>
    %mul3A = arith.constant 2.000000e+00 : f32
    %mul3A_2 = vector.broadcast %mul3A : f32 to vector<512x32xf32>
    %mul3A_3 = arith.mulf %mul3A_2, %get3A_1 : vector<512x32xf32>
    %convert_element_type3A = arith.truncf %mul3A_3 : vector<512x32xf32> to vector<512x32xbf16>
    %get3A_4 = arith.constant 0 : index
    %get3A_5 = arith.constant 0 : index
    %get3A_6 = vector.load %arg3[%get3A_4, %get3A_5] : memref<512x1xf32, #tpu.memory_space<vmem>>, vector<512x1xf32>
    %iota3A = tpu.iota {dimensions = array<i32: 1>} : vector<512x1024xi32>
    %get3A_7 = arith.constant 0 : index
    %get3A_8 = arith.constant 0 : index
    %get3A_9 = vector.load %arg2[%get3A_7, %get3A_8] : memref<8192x32xf32, #tpu.memory_space<vmem>>, vector<1024x32xf32>
    %convert_element_type3A_10 = arith.truncf %get3A_9 : vector<1024x32xf32> to vector<1024x32xbf16>
    %dot_general3A = arith.constant dense<0.000000e+00> : vector<512x1024xf32>
    %dot_general3A_11 = tpu.matmul %convert_element_type3A, %convert_element_type3A_10, %dot_general3A {dimension_numbers = #tpu.dot_dimension_numbers<[1], [1], [0], [0], [0, 0, 1, 0], [], []>, transpose_lhs_hint = false} : vector<512x32xbf16>, vector<1024x32xbf16>, vector<512x1024xf32> -> vector<512x1024xf32>
    %get3A_12 = arith.constant 0 : index
    %get3A_13 = arith.constant 0 : index
    %get3A_14 = vector.load %arg4[%get3A_12, %get3A_13] : memref<1x8192xf32, #tpu.memory_space<vmem>>, vector<1x1024xf32>
    %add3A = vector.broadcast %get3A_6 : vector<512x1xf32> to vector<512x1024xf32>
    %add3A_15 = vector.broadcast %get3A_14 : vector<1x1024xf32> to vector<512x1024xf32>
    %add3A_16 = arith.addf %add3A, %add3A_15 : vector<512x1024xf32>
    %sub3A = arith.subf %add3A_16, %dot_general3A_11 : vector<512x1024xf32>
    %reduce_min3A = arith.constant dense<0x7F800000> : vector<512xf32>
    %reduce_min3A_17 = vector.multi_reduction <minimumf>, %sub3A, %reduce_min3A [1] : vector<512x1024xf32> to vector<512xf32>
    %broadcast_in_dim3A = vector.shape_cast %reduce_min3A_17 : vector<512xf32> to vector<512x1xf32>
    %eq3A = vector.broadcast %broadcast_in_dim3A : vector<512x1xf32> to vector<512x1024xf32>
    %eq3A_18 = arith.cmpf oeq, %sub3A, %eq3A : vector<512x1024xf32>
    %jit3A = arith.constant 8192 : i32
    %broadcast_in_dim3A_19 = vector.broadcast %jit3A : i32 to vector<512x1024xi32>
    %select_n3A = arith.select %eq3A_18, %iota3A, %broadcast_in_dim3A_19 : vector<512x1024xi1>, vector<512x1024xi32>
    %reduce_min3A_20 = arith.constant dense<2147483647> : vector<512xi32>
    %reduce_min3A_21 = vector.multi_reduction <minsi>, %select_n3A, %reduce_min3A_20 [1] : vector<512x1024xi32> to vector<512xi32>
    %add3A_22 = arith.constant 0 : i32
    %add3A_23 = vector.broadcast %add3A_22 : i32 to vector<512xi32>
    %add3A_24 = arith.addi %reduce_min3A_21, %add3A_23 : vector<512xi32>
    %squeeze3A = vector.shape_cast %broadcast_in_dim3A : vector<512x1xf32> to vector<512xf32>
    %get3A_25 = arith.constant 1024 : index
    %get3A_26 = arith.constant 0 : index
    %get3A_27 = vector.load %arg2[%get3A_25, %get3A_26] : memref<8192x32xf32, #tpu.memory_space<vmem>>, vector<1024x32xf32>
    %convert_element_type3A_28 = arith.truncf %get3A_27 : vector<1024x32xf32> to vector<1024x32xbf16>
    %dot_general3A_29 = arith.constant dense<0.000000e+00> : vector<512x1024xf32>
    %dot_general3A_30 = tpu.matmul %convert_element_type3A, %convert_element_type3A_28, %dot_general3A_29 {dimension_numbers = #tpu.dot_dimension_numbers<[1], [1], [0], [0], [0, 0, 1, 0], [], []>, transpose_lhs_hint = false} : vector<512x32xbf16>, vector<1024x32xbf16>, vector<512x1024xf32> -> vector<512x1024xf32>
    %get3A_31 = arith.constant 0 : index
    %get3A_32 = arith.constant 1024 : index
    %get3A_33 = vector.load %arg4[%get3A_31, %get3A_32] : memref<1x8192xf32, #tpu.memory_space<vmem>>, vector<1x1024xf32>
    %add3A_34 = vector.broadcast %get3A_6 : vector<512x1xf32> to vector<512x1024xf32>
    %add3A_35 = vector.broadcast %get3A_33 : vector<1x1024xf32> to vector<512x1024xf32>
    %add3A_36 = arith.addf %add3A_34, %add3A_35 : vector<512x1024xf32>
    %sub3A_37 = arith.subf %add3A_36, %dot_general3A_30 : vector<512x1024xf32>
    %reduce_min3A_38 = arith.constant dense<0x7F800000> : vector<512xf32>
    %reduce_min3A_39 = vector.multi_reduction <minimumf>, %sub3A_37, %reduce_min3A_38 [1] : vector<512x1024xf32> to vector<512xf32>
    %broadcast_in_dim3A_40 = vector.shape_cast %reduce_min3A_39 : vector<512xf32> to vector<512x1xf32>
    %eq3A_41 = vector.broadcast %broadcast_in_dim3A_40 : vector<512x1xf32> to vector<512x1024xf32>
    %eq3A_42 = arith.cmpf oeq, %sub3A_37, %eq3A_41 : vector<512x1024xf32>
    %jit3A_43 = arith.constant 8192 : i32
    %broadcast_in_dim3A_44 = vector.broadcast %jit3A_43 : i32 to vector<512x1024xi32>
    %select_n3A_45 = arith.select %eq3A_42, %iota3A, %broadcast_in_dim3A_44 : vector<512x1024xi1>, vector<512x1024xi32>
    %reduce_min3A_46 = arith.constant dense<2147483647> : vector<512xi32>
    %reduce_min3A_47 = vector.multi_reduction <minsi>, %select_n3A_45, %reduce_min3A_46 [1] : vector<512x1024xi32> to vector<512xi32>
    %add3A_48 = arith.constant 1024 : i32
    %add3A_49 = vector.broadcast %add3A_48 : i32 to vector<512xi32>
    %add3A_50 = arith.addi %reduce_min3A_47, %add3A_49 : vector<512xi32>
    %squeeze3A_51 = vector.shape_cast %broadcast_in_dim3A_40 : vector<512x1xf32> to vector<512xf32>
    %get3A_52 = arith.constant 2048 : index
    %get3A_53 = arith.constant 0 : index
    %get3A_54 = vector.load %arg2[%get3A_52, %get3A_53] : memref<8192x32xf32, #tpu.memory_space<vmem>>, vector<1024x32xf32>
    %convert_element_type3A_55 = arith.truncf %get3A_54 : vector<1024x32xf32> to vector<1024x32xbf16>
    %dot_general3A_56 = arith.constant dense<0.000000e+00> : vector<512x1024xf32>
    %dot_general3A_57 = tpu.matmul %convert_element_type3A, %convert_element_type3A_55, %dot_general3A_56 {dimension_numbers = #tpu.dot_dimension_numbers<[1], [1], [0], [0], [0, 0, 1, 0], [], []>, transpose_lhs_hint = false} : vector<512x32xbf16>, vector<1024x32xbf16>, vector<512x1024xf32> -> vector<512x1024xf32>
    %get3A_58 = arith.constant 0 : index
    %get3A_59 = arith.constant 2048 : index
    %get3A_60 = vector.load %arg4[%get3A_58, %get3A_59] : memref<1x8192xf32, #tpu.memory_space<vmem>>, vector<1x1024xf32>
    %add3A_61 = vector.broadcast %get3A_6 : vector<512x1xf32> to vector<512x1024xf32>
    %add3A_62 = vector.broadcast %get3A_60 : vector<1x1024xf32> to vector<512x1024xf32>
    %add3A_63 = arith.addf %add3A_61, %add3A_62 : vector<512x1024xf32>
    %sub3A_64 = arith.subf %add3A_63, %dot_general3A_57 : vector<512x1024xf32>
    %reduce_min3A_65 = arith.constant dense<0x7F800000> : vector<512xf32>
    %reduce_min3A_66 = vector.multi_reduction <minimumf>, %sub3A_64, %reduce_min3A_65 [1] : vector<512x1024xf32> to vector<512xf32>
    %broadcast_in_dim3A_67 = vector.shape_cast %reduce_min3A_66 : vector<512xf32> to vector<512x1xf32>
    %eq3A_68 = vector.broadcast %broadcast_in_dim3A_67 : vector<512x1xf32> to vector<512x1024xf32>
    %eq3A_69 = arith.cmpf oeq, %sub3A_64, %eq3A_68 : vector<512x1024xf32>
    %jit3A_70 = arith.constant 8192 : i32
    %broadcast_in_dim3A_71 = vector.broadcast %jit3A_70 : i32 to vector<512x1024xi32>
    %select_n3A_72 = arith.select %eq3A_69, %iota3A, %broadcast_in_dim3A_71 : vector<512x1024xi1>, vector<512x1024xi32>
    %reduce_min3A_73 = arith.constant dense<2147483647> : vector<512xi32>
    %reduce_min3A_74 = vector.multi_reduction <minsi>, %select_n3A_72, %reduce_min3A_73 [1] : vector<512x1024xi32> to vector<512xi32>
    %add3A_75 = arith.constant 2048 : i32
    %add3A_76 = vector.broadcast %add3A_75 : i32 to vector<512xi32>
    %add3A_77 = arith.addi %reduce_min3A_74, %add3A_76 : vector<512xi32>
    %squeeze3A_78 = vector.shape_cast %broadcast_in_dim3A_67 : vector<512x1xf32> to vector<512xf32>
    %get3A_79 = arith.constant 3072 : index
    %get3A_80 = arith.constant 0 : index
    %get3A_81 = vector.load %arg2[%get3A_79, %get3A_80] : memref<8192x32xf32, #tpu.memory_space<vmem>>, vector<1024x32xf32>
    %convert_element_type3A_82 = arith.truncf %get3A_81 : vector<1024x32xf32> to vector<1024x32xbf16>
    %dot_general3A_83 = arith.constant dense<0.000000e+00> : vector<512x1024xf32>
    %dot_general3A_84 = tpu.matmul %convert_element_type3A, %convert_element_type3A_82, %dot_general3A_83 {dimension_numbers = #tpu.dot_dimension_numbers<[1], [1], [0], [0], [0, 0, 1, 0], [], []>, transpose_lhs_hint = false} : vector<512x32xbf16>, vector<1024x32xbf16>, vector<512x1024xf32> -> vector<512x1024xf32>
    %get3A_85 = arith.constant 0 : index
    %get3A_86 = arith.constant 3072 : index
    %get3A_87 = vector.load %arg4[%get3A_85, %get3A_86] : memref<1x8192xf32, #tpu.memory_space<vmem>>, vector<1x1024xf32>
    %add3A_88 = vector.broadcast %get3A_6 : vector<512x1xf32> to vector<512x1024xf32>
    %add3A_89 = vector.broadcast %get3A_87 : vector<1x1024xf32> to vector<512x1024xf32>
    %add3A_90 = arith.addf %add3A_88, %add3A_89 : vector<512x1024xf32>
    %sub3A_91 = arith.subf %add3A_90, %dot_general3A_84 : vector<512x1024xf32>
    %reduce_min3A_92 = arith.constant dense<0x7F800000> : vector<512xf32>
    %reduce_min3A_93 = vector.multi_reduction <minimumf>, %sub3A_91, %reduce_min3A_92 [1] : vector<512x1024xf32> to vector<512xf32>
    %broadcast_in_dim3A_94 = vector.shape_cast %reduce_min3A_93 : vector<512xf32> to vector<512x1xf32>
    %eq3A_95 = vector.broadcast %broadcast_in_dim3A_94 : vector<512x1xf32> to vector<512x1024xf32>
    %eq3A_96 = arith.cmpf oeq, %sub3A_91, %eq3A_95 : vector<512x1024xf32>
    %jit3A_97 = arith.constant 8192 : i32
    %broadcast_in_dim3A_98 = vector.broadcast %jit3A_97 : i32 to vector<512x1024xi32>
    %select_n3A_99 = arith.select %eq3A_96, %iota3A, %broadcast_in_dim3A_98 : vector<512x1024xi1>, vector<512x1024xi32>
    %reduce_min3A_100 = arith.constant dense<2147483647> : vector<512xi32>
    %reduce_min3A_101 = vector.multi_reduction <minsi>, %select_n3A_99, %reduce_min3A_100 [1] : vector<512x1024xi32> to vector<512xi32>
    %add3A_102 = arith.constant 3072 : i32
    %add3A_103 = vector.broadcast %add3A_102 : i32 to vector<512xi32>
    %add3A_104 = arith.addi %reduce_min3A_101, %add3A_103 : vector<512xi32>
    %squeeze3A_105 = vector.shape_cast %broadcast_in_dim3A_94 : vector<512x1xf32> to vector<512xf32>
    %get3A_106 = arith.constant 4096 : index
    %get3A_107 = arith.constant 0 : index
    %get3A_108 = vector.load %arg2[%get3A_106, %get3A_107] : memref<8192x32xf32, #tpu.memory_space<vmem>>, vector<1024x32xf32>
    %convert_element_type3A_109 = arith.truncf %get3A_108 : vector<1024x32xf32> to vector<1024x32xbf16>
    %dot_general3A_110 = arith.constant dense<0.000000e+00> : vector<512x1024xf32>
    %dot_general3A_111 = tpu.matmul %convert_element_type3A, %convert_element_type3A_109, %dot_general3A_110 {dimension_numbers = #tpu.dot_dimension_numbers<[1], [1], [0], [0], [0, 0, 1, 0], [], []>, transpose_lhs_hint = false} : vector<512x32xbf16>, vector<1024x32xbf16>, vector<512x1024xf32> -> vector<512x1024xf32>
    %get3A_112 = arith.constant 0 : index
    %get3A_113 = arith.constant 4096 : index
    %get3A_114 = vector.load %arg4[%get3A_112, %get3A_113] : memref<1x8192xf32, #tpu.memory_space<vmem>>, vector<1x1024xf32>
    %add3A_115 = vector.broadcast %get3A_6 : vector<512x1xf32> to vector<512x1024xf32>
    %add3A_116 = vector.broadcast %get3A_114 : vector<1x1024xf32> to vector<512x1024xf32>
    %add3A_117 = arith.addf %add3A_115, %add3A_116 : vector<512x1024xf32>
    %sub3A_118 = arith.subf %add3A_117, %dot_general3A_111 : vector<512x1024xf32>
    %reduce_min3A_119 = arith.constant dense<0x7F800000> : vector<512xf32>
    %reduce_min3A_120 = vector.multi_reduction <minimumf>, %sub3A_118, %reduce_min3A_119 [1] : vector<512x1024xf32> to vector<512xf32>
    %broadcast_in_dim3A_121 = vector.shape_cast %reduce_min3A_120 : vector<512xf32> to vector<512x1xf32>
    %eq3A_122 = vector.broadcast %broadcast_in_dim3A_121 : vector<512x1xf32> to vector<512x1024xf32>
    %eq3A_123 = arith.cmpf oeq, %sub3A_118, %eq3A_122 : vector<512x1024xf32>
    %jit3A_124 = arith.constant 8192 : i32
    %broadcast_in_dim3A_125 = vector.broadcast %jit3A_124 : i32 to vector<512x1024xi32>
    %select_n3A_126 = arith.select %eq3A_123, %iota3A, %broadcast_in_dim3A_125 : vector<512x1024xi1>, vector<512x1024xi32>
    %reduce_min3A_127 = arith.constant dense<2147483647> : vector<512xi32>
    %reduce_min3A_128 = vector.multi_reduction <minsi>, %select_n3A_126, %reduce_min3A_127 [1] : vector<512x1024xi32> to vector<512xi32>
    %add3A_129 = arith.constant 4096 : i32
    %add3A_130 = vector.broadcast %add3A_129 : i32 to vector<512xi32>
    %add3A_131 = arith.addi %reduce_min3A_128, %add3A_130 : vector<512xi32>
    %squeeze3A_132 = vector.shape_cast %broadcast_in_dim3A_121 : vector<512x1xf32> to vector<512xf32>
    %get3A_133 = arith.constant 5120 : index
    %get3A_134 = arith.constant 0 : index
    %get3A_135 = vector.load %arg2[%get3A_133, %get3A_134] : memref<8192x32xf32, #tpu.memory_space<vmem>>, vector<1024x32xf32>
    %convert_element_type3A_136 = arith.truncf %get3A_135 : vector<1024x32xf32> to vector<1024x32xbf16>
    %dot_general3A_137 = arith.constant dense<0.000000e+00> : vector<512x1024xf32>
    %dot_general3A_138 = tpu.matmul %convert_element_type3A, %convert_element_type3A_136, %dot_general3A_137 {dimension_numbers = #tpu.dot_dimension_numbers<[1], [1], [0], [0], [0, 0, 1, 0], [], []>, transpose_lhs_hint = false} : vector<512x32xbf16>, vector<1024x32xbf16>, vector<512x1024xf32> -> vector<512x1024xf32>
    %get3A_139 = arith.constant 0 : index
    %get3A_140 = arith.constant 5120 : index
    %get3A_141 = vector.load %arg4[%get3A_139, %get3A_140] : memref<1x8192xf32, #tpu.memory_space<vmem>>, vector<1x1024xf32>
    %add3A_142 = vector.broadcast %get3A_6 : vector<512x1xf32> to vector<512x1024xf32>
    %add3A_143 = vector.broadcast %get3A_141 : vector<1x1024xf32> to vector<512x1024xf32>
    %add3A_144 = arith.addf %add3A_142, %add3A_143 : vector<512x1024xf32>
    %sub3A_145 = arith.subf %add3A_144, %dot_general3A_138 : vector<512x1024xf32>
    %reduce_min3A_146 = arith.constant dense<0x7F800000> : vector<512xf32>
    %reduce_min3A_147 = vector.multi_reduction <minimumf>, %sub3A_145, %reduce_min3A_146 [1] : vector<512x1024xf32> to vector<512xf32>
    %broadcast_in_dim3A_148 = vector.shape_cast %reduce_min3A_147 : vector<512xf32> to vector<512x1xf32>
    %eq3A_149 = vector.broadcast %broadcast_in_dim3A_148 : vector<512x1xf32> to vector<512x1024xf32>
    %eq3A_150 = arith.cmpf oeq, %sub3A_145, %eq3A_149 : vector<512x1024xf32>
    %jit3A_151 = arith.constant 8192 : i32
    %broadcast_in_dim3A_152 = vector.broadcast %jit3A_151 : i32 to vector<512x1024xi32>
    %select_n3A_153 = arith.select %eq3A_150, %iota3A, %broadcast_in_dim3A_152 : vector<512x1024xi1>, vector<512x1024xi32>
    %reduce_min3A_154 = arith.constant dense<2147483647> : vector<512xi32>
    %reduce_min3A_155 = vector.multi_reduction <minsi>, %select_n3A_153, %reduce_min3A_154 [1] : vector<512x1024xi32> to vector<512xi32>
    %add3A_156 = arith.constant 5120 : i32
    %add3A_157 = vector.broadcast %add3A_156 : i32 to vector<512xi32>
    %add3A_158 = arith.addi %reduce_min3A_155, %add3A_157 : vector<512xi32>
    %squeeze3A_159 = vector.shape_cast %broadcast_in_dim3A_148 : vector<512x1xf32> to vector<512xf32>
    %get3A_160 = arith.constant 6144 : index
    %get3A_161 = arith.constant 0 : index
    %get3A_162 = vector.load %arg2[%get3A_160, %get3A_161] : memref<8192x32xf32, #tpu.memory_space<vmem>>, vector<1024x32xf32>
    %convert_element_type3A_163 = arith.truncf %get3A_162 : vector<1024x32xf32> to vector<1024x32xbf16>
    %dot_general3A_164 = arith.constant dense<0.000000e+00> : vector<512x1024xf32>
    %dot_general3A_165 = tpu.matmul %convert_element_type3A, %convert_element_type3A_163, %dot_general3A_164 {dimension_numbers = #tpu.dot_dimension_numbers<[1], [1], [0], [0], [0, 0, 1, 0], [], []>, transpose_lhs_hint = false} : vector<512x32xbf16>, vector<1024x32xbf16>, vector<512x1024xf32> -> vector<512x1024xf32>
    %get3A_166 = arith.constant 0 : index
    %get3A_167 = arith.constant 6144 : index
    %get3A_168 = vector.load %arg4[%get3A_166, %get3A_167] : memref<1x8192xf32, #tpu.memory_space<vmem>>, vector<1x1024xf32>
    %add3A_169 = vector.broadcast %get3A_6 : vector<512x1xf32> to vector<512x1024xf32>
    %add3A_170 = vector.broadcast %get3A_168 : vector<1x1024xf32> to vector<512x1024xf32>
    %add3A_171 = arith.addf %add3A_169, %add3A_170 : vector<512x1024xf32>
    %sub3A_172 = arith.subf %add3A_171, %dot_general3A_165 : vector<512x1024xf32>
    %reduce_min3A_173 = arith.constant dense<0x7F800000> : vector<512xf32>
    %reduce_min3A_174 = vector.multi_reduction <minimumf>, %sub3A_172, %reduce_min3A_173 [1] : vector<512x1024xf32> to vector<512xf32>
    %broadcast_in_dim3A_175 = vector.shape_cast %reduce_min3A_174 : vector<512xf32> to vector<512x1xf32>
    %eq3A_176 = vector.broadcast %broadcast_in_dim3A_175 : vector<512x1xf32> to vector<512x1024xf32>
    %eq3A_177 = arith.cmpf oeq, %sub3A_172, %eq3A_176 : vector<512x1024xf32>
    %jit3A_178 = arith.constant 8192 : i32
    %broadcast_in_dim3A_179 = vector.broadcast %jit3A_178 : i32 to vector<512x1024xi32>
    %select_n3A_180 = arith.select %eq3A_177, %iota3A, %broadcast_in_dim3A_179 : vector<512x1024xi1>, vector<512x1024xi32>
    %reduce_min3A_181 = arith.constant dense<2147483647> : vector<512xi32>
    %reduce_min3A_182 = vector.multi_reduction <minsi>, %select_n3A_180, %reduce_min3A_181 [1] : vector<512x1024xi32> to vector<512xi32>
    %add3A_183 = arith.constant 6144 : i32
    %add3A_184 = vector.broadcast %add3A_183 : i32 to vector<512xi32>
    %add3A_185 = arith.addi %reduce_min3A_182, %add3A_184 : vector<512xi32>
    %squeeze3A_186 = vector.shape_cast %broadcast_in_dim3A_175 : vector<512x1xf32> to vector<512xf32>
    %get3A_187 = arith.constant 7168 : index
    %get3A_188 = arith.constant 0 : index
    %get3A_189 = vector.load %arg2[%get3A_187, %get3A_188] : memref<8192x32xf32, #tpu.memory_space<vmem>>, vector<1024x32xf32>
    %convert_element_type3A_190 = arith.truncf %get3A_189 : vector<1024x32xf32> to vector<1024x32xbf16>
    %dot_general3A_191 = arith.constant dense<0.000000e+00> : vector<512x1024xf32>
    %dot_general3A_192 = tpu.matmul %convert_element_type3A, %convert_element_type3A_190, %dot_general3A_191 {dimension_numbers = #tpu.dot_dimension_numbers<[1], [1], [0], [0], [0, 0, 1, 0], [], []>, transpose_lhs_hint = false} : vector<512x32xbf16>, vector<1024x32xbf16>, vector<512x1024xf32> -> vector<512x1024xf32>
    %get3A_193 = arith.constant 0 : index
    %get3A_194 = arith.constant 7168 : index
    %get3A_195 = vector.load %arg4[%get3A_193, %get3A_194] : memref<1x8192xf32, #tpu.memory_space<vmem>>, vector<1x1024xf32>
    %add3A_196 = vector.broadcast %get3A_6 : vector<512x1xf32> to vector<512x1024xf32>
    %add3A_197 = vector.broadcast %get3A_195 : vector<1x1024xf32> to vector<512x1024xf32>
    %add3A_198 = arith.addf %add3A_196, %add3A_197 : vector<512x1024xf32>
    %sub3A_199 = arith.subf %add3A_198, %dot_general3A_192 : vector<512x1024xf32>
    %reduce_min3A_200 = arith.constant dense<0x7F800000> : vector<512xf32>
    %reduce_min3A_201 = vector.multi_reduction <minimumf>, %sub3A_199, %reduce_min3A_200 [1] : vector<512x1024xf32> to vector<512xf32>
    %broadcast_in_dim3A_202 = vector.shape_cast %reduce_min3A_201 : vector<512xf32> to vector<512x1xf32>
    %eq3A_203 = vector.broadcast %broadcast_in_dim3A_202 : vector<512x1xf32> to vector<512x1024xf32>
    %eq3A_204 = arith.cmpf oeq, %sub3A_199, %eq3A_203 : vector<512x1024xf32>
    %jit3A_205 = arith.constant 8192 : i32
    %broadcast_in_dim3A_206 = vector.broadcast %jit3A_205 : i32 to vector<512x1024xi32>
    %select_n3A_207 = arith.select %eq3A_204, %iota3A, %broadcast_in_dim3A_206 : vector<512x1024xi1>, vector<512x1024xi32>
    %reduce_min3A_208 = arith.constant dense<2147483647> : vector<512xi32>
    %reduce_min3A_209 = vector.multi_reduction <minsi>, %select_n3A_207, %reduce_min3A_208 [1] : vector<512x1024xi32> to vector<512xi32>
    %add3A_210 = arith.constant 7168 : i32
    %add3A_211 = vector.broadcast %add3A_210 : i32 to vector<512xi32>
    %add3A_212 = arith.addi %reduce_min3A_209, %add3A_211 : vector<512xi32>
    %squeeze3A_213 = vector.shape_cast %broadcast_in_dim3A_202 : vector<512x1xf32> to vector<512xf32>
    %lt3A = arith.cmpf olt, %squeeze3A_51, %squeeze3A : vector<512xf32>
    %select_n3A_214 = arith.select %lt3A, %squeeze3A_51, %squeeze3A : vector<512xi1>, vector<512xf32>
    %select_n3A_215 = arith.select %lt3A, %add3A_50, %add3A_24 : vector<512xi1>, vector<512xi32>
    %lt3A_216 = arith.cmpf olt, %squeeze3A_105, %squeeze3A_78 : vector<512xf32>
    %select_n3A_217 = arith.select %lt3A_216, %squeeze3A_105, %squeeze3A_78 : vector<512xi1>, vector<512xf32>
    %select_n3A_218 = arith.select %lt3A_216, %add3A_104, %add3A_77 : vector<512xi1>, vector<512xi32>
    %lt3A_219 = arith.cmpf olt, %squeeze3A_159, %squeeze3A_132 : vector<512xf32>
    %select_n3A_220 = arith.select %lt3A_219, %squeeze3A_159, %squeeze3A_132 : vector<512xi1>, vector<512xf32>
    %select_n3A_221 = arith.select %lt3A_219, %add3A_158, %add3A_131 : vector<512xi1>, vector<512xi32>
    %lt3A_222 = arith.cmpf olt, %squeeze3A_213, %squeeze3A_186 : vector<512xf32>
    %select_n3A_223 = arith.select %lt3A_222, %squeeze3A_213, %squeeze3A_186 : vector<512xi1>, vector<512xf32>
    %select_n3A_224 = arith.select %lt3A_222, %add3A_212, %add3A_185 : vector<512xi1>, vector<512xi32>
    %convert_element_type3A_225 = arith.truncf %select_n3A_214 : vector<512xf32> to vector<512xbf16>
    %convert_element_type3A_226 = arith.extf %convert_element_type3A_225 : vector<512xbf16> to vector<512xf32>
    %lt3A_227 = arith.cmpf olt, %select_n3A_217, %convert_element_type3A_226 : vector<512xf32>
    %convert_element_type3A_228 = arith.truncf %select_n3A_217 : vector<512xf32> to vector<512xbf16>
    %convert_element_type3A_229 = arith.extf %convert_element_type3A_228 : vector<512xbf16> to vector<512xf32>
    %select_n3A_230 = arith.select %lt3A_227, %convert_element_type3A_229, %convert_element_type3A_226 : vector<512xi1>, vector<512xf32>
    %select_n3A_231 = arith.select %lt3A_227, %select_n3A_218, %select_n3A_215 : vector<512xi1>, vector<512xi32>
    %lt3A_232 = arith.cmpf olt, %select_n3A_220, %select_n3A_230 : vector<512xf32>
    %convert_element_type3A_233 = arith.truncf %select_n3A_220 : vector<512xf32> to vector<512xbf16>
    %convert_element_type3A_234 = arith.extf %convert_element_type3A_233 : vector<512xbf16> to vector<512xf32>
    %select_n3A_235 = arith.select %lt3A_232, %convert_element_type3A_234, %select_n3A_230 : vector<512xi1>, vector<512xf32>
    %select_n3A_236 = arith.select %lt3A_232, %select_n3A_221, %select_n3A_231 : vector<512xi1>, vector<512xi32>
    %lt3A_237 = arith.cmpf olt, %select_n3A_223, %select_n3A_235 : vector<512xf32>
    %select_n3A_238 = arith.select %lt3A_237, %select_n3A_224, %select_n3A_236 : vector<512xi1>, vector<512xi32>
    %swap3A = arith.constant 0 : index
    %swap3A_239 = arith.constant 0 : index
    %swap3A_240 = arith.constant 0 : index
    %swap3A_241 = vector.load %arg5[%swap3A, %swap3A_239, %swap3A_240] : memref<1x1x512xi32, #tpu.memory_space<vmem>>, vector<1x1x512xi32>
    %swap3A_242 = vector.shape_cast %swap3A_241 : vector<1x1x512xi32> to vector<512xi32>
    %swap3A_243 = vector.shape_cast %select_n3A_238 : vector<512xi32> to vector<1x1x512xi32>
    tpu.vector_store %arg5[%swap3A, %swap3A_239, %swap3A_240], %swap3A_243 {strides = array<i32>} : memref<1x1x512xi32, #tpu.memory_space<vmem>>, vector<1x1x512xi32>,
    return
  }
  func.func @transform_0(%arg0: i32) -> (i32, i32) {
    %c0_i32 = arith.constant 0 : i32
    %c0_i32_0 = arith.constant 0 : i32
    return %arg0, %c0_i32 : i32, i32
  }
  func.func @transform_1(%arg0: i32) -> (i32, i32) {
    %c0_i32 = arith.constant 0 : i32
    %c0_i32_0 = arith.constant 0 : i32
    %c0_i32_1 = arith.constant 0 : i32
    return %c0_i32, %c0_i32_0 : i32, i32
  }
  func.func @transform_2(%arg0: i32) -> (i32, i32) {
    %c0_i32 = arith.constant 0 : i32
    %c0_i32_0 = arith.constant 0 : i32
    return %arg0, %c0_i32 : i32, i32
  }
  func.func @transform_3(%arg0: i32) -> (i32, i32) {
    %c0_i32 = arith.constant 0 : i32
    %c0_i32_0 = arith.constant 0 : i32
    %c0_i32_1 = arith.constant 0 : i32
    return %c0_i32, %c0_i32_0 : i32, i32
  }
  func.func @transform_4(%arg0: i32) -> (i32, i32, i32) {
    %c0_i32 = arith.constant 0 : i32
    %c0_i32_0 = arith.constant 0 : i32
    %c0_i32_1 = arith.constant 0 : i32
    return %arg0, %c0_i32, %c0_i32_0 : i32, i32, i32
  }
}

</mosaic_0001>

<sc_bundles>
// kernel: kernel.4.cloned.1.call-start
scs
__scs_entry_jumppad:
0x0: {  	(pc) =	sbr.rel $0x88, $3  }
0x1: {  	(tag) =	ssettag $0x0;
	lr =	simm.s32 $0x1  }
0x2: {  	[smem:$0x3F9F] =	sst lr;
	_ =	strace $0xD0000000  }
0x3: {  	_ = 	snop  }
0x4: {  	_ = 	snop  }
0x5: {  	_ = 	snop  }
0x6: {  	_ = 	snop  }
0x7: {  	_ = 	snop  }
__scs_overlays_trampoline_lowered:
0x8: {  	[smem:$0x3FAE] =	sst s0  }
0x9: {  	[smem:$0x3FAF] =	sst s1  }
0xa: {  	[smem:$0x3FB0] =	sst s2  }
0xb: {  	[smem:$0x3FB1] =	sst s3  }
0xc: {  	[smem:$0x3FB2] =	sst s4  }
0xd: {  	[smem:$0x3FB3] =	sst s5  }
0xe: {  	[smem:$0x3FB4] =	sst s6  }
0xf: {  	[smem:$0x3FB5] =	sst s7  }
0x10: {  	[smem:$0x3FB6] =	sst s8  }
0x11: {  	[smem:$0x3FB7] =	sst s9;
	s0 =	simm.s32 @!p0 $0x0  }
0x12: {  	s1 =	sld [smem:$0x3F9D];
	s0 =	simm.s32 @p0 $0x1  }
0x13: {  	[smem:$0x3FB8] =	sst s0;
	s0 =	simm.s32 @!p1 $0x0  }
0x14: {  	s2 =	sld [smem:$0x3F9C];
	s0 =	simm.s32 @p1 $0x1  }
0x15: {  	[smem:$0x3FB9] =	sst s0;
	s0 =	simm.s32 @!p2 $0x0  }
0x16: {  	s3 =	sld [smem:$0x3FDB];
	s0 =	simm.s32 @p2 $0x1  }
0x17: {  	s4 =	simm.s32 $0x1BF5;
	[smem:$0x3FBB] =	sst s0  }
0x18: {  	s0 =	sld [smem:$0x3F9E];
	_ =	swait.ge [sflag:s4], $0x0  }
0x19: {  	s7 =	sld [smem:$0x3F9F]  }
0x1a: {  	s8 =	sadd.s32 $0xFFFFE003, lr  }
0x1b: {  	s9 =	sadd.s32 $0xFFFFFEF7, lr;
	s5 =	simm.s32 $0xFFFFFFFF;
	p2 =	slt.u32 s8, $0xFFFFF086  }
0x1c: {  	p1 =	slt.u32 s9, $0xF7A;
	s5 =	simm.s32 @!p2 $0x0  }
0x1d: {  	s5 =	simm.s32 @p1 $0x1;
	p0 =	seq.s32 s7, s2  }
0x1e: {  	s7 =	smul.u32 @!p0 $0xF7A, s2;
	p2 =	seq.s32 @!p0 s5, $0x0  }
0x1f: {  	s9 =	smul.u32 $0xF7A, s1;
	s8 =	simm.s32 @!p0 $0x1BF5;
	p2 =	por !p2, p0  }
0x20: {  	[sflag:s8] =	ssyncset.s32 @!p0 $0xFFFFF086;
	s6 =	sadd.s32 @!p0 s3, s7;
	s7 =	simm.s32 @!p0 $0x108  }
0x21: {  	s3 =	sadd.s32 s3, s9;
	s6 =	sadd.s32 @!p0 $0x88, s6;
	s7 =	simm.s32 @p2 $0x1082  }
0x22: {  	[simem:s7], [sflag:s8] =	dma.local @!p0 [hbm:s6], $0xF7A  }
0x23: {  	s9 =	sor.u32 $0xD0000000, s2;
	s6 =	simm.s32 $0x108;
	_ =	swait.ge @!p0 [sflag:s8], $0x0  }
0x24: {  	s3 =	sadd.s32 $0x88, s3;
	s6 =	simm.s32 @!p1 $0x1082;
	[sflag:s4] =	ssyncset.s32 $0xFFFFF086  }
0x25: {  	[simem:s6], [sflag:s4] =	dma.local [hbm:s3], $0xF7A  }
0x26: {  	[smem:$0x3F9F] =	sst s1;
	(tag) =	ssettag s2;
	_ =	strace s9  }
0x27: {  	s1 =	sld [smem:$0x3FAF]  }
0x28: {  	s2 =	sld [smem:$0x3FB0]  }
0x29: {  	s4 =	sld [smem:$0x3FB2]  }
0x2a: {  	p0 =	seq.s32 s5, $0x0;
	s5 =	sld [smem:$0x3FB3]  }
0x2b: {  	s6 =	sld [smem:$0x3FB4]  }
0x2c: {  	s7 =	sld [smem:$0x3FB5]  }
0x2d: {  	s3 =	simm.s32 $0x108;
	s8 =	sld [smem:$0x3FB6]  }
0x2e: {  	s3 =	simm.s32 @!p0 $0x1082;
	s9 =	sld [smem:$0x3FB7]  }
0x2f: {  	lr =	sadd.s32 s0, s3;
	s0 =	sld [smem:$0x3FAE]  }
0x30: {  	s3 =	sld [smem:$0x3FB1]  }
0x31: {  	[smem:$0x3FBA] =	sst s10  }
0x32: {  	s10 =	sld [smem:$0x3FB8];
	_ =	sdelay $0x3  }
0x33: {  	p0 =	seq.s32 s10, $0x1;
	s10 =	sld [smem:$0x3FBA];
	_ =	sdelay $0x3  }
0x34: {  	[smem:$0x3FBA] =	sst s10  }
0x35: {  	s10 =	sld [smem:$0x3FB9];
	_ =	sdelay $0x3  }
0x36: {  	p1 =	seq.s32 s10, $0x1;
	s10 =	sld [smem:$0x3FBA];
	_ =	sdelay $0x3  }
0x37: {  	[smem:$0x3FBA] =	sst s10  }
0x38: {  	s10 =	sld [smem:$0x3FBB]  }
0x39: {  	_ = 	snop;
	(pc) =	sbr.ind lr, $3  }
0x3a: {  	_ = 	snop  }
0x3b: {  	_ = 	snop  }
0x3c: {  	p2 =	seq.s32 s10, $0x1;
	s10 =	sld [smem:$0x3FBA]  }
0x3d: {  	_ =	shalt  }
0x3e: {  	_ =	shalt  }
0x3f: {  	_ =	shalt  }
0x40: {  	_ =	shalt  }
0x41: {  	_ =	shalt  }
0x42: {  	_ =	shalt  }
0x43: {  	_ =	shalt  }
0x44: {  	_ =	shalt  }
0x45: {  	_ =	shalt  }
0x46: {  	_ =	shalt  }
0x47: {  	_ =	shalt  }
0x48: {  	_ =	shalt  }
0x49: {  	_ =	shalt  }
0x4a: {  	_ =	shalt  }
0x4b: {  	_ =	shalt  }
0x4c: {  	_ =	shalt  }
0x4d: {  	_ =	shalt  }
0x4e: {  	_ =	shalt  }
0x4f: {  	_ =	shalt  }
0x50: {  	_ =	shalt  }
0x51: {  	_ =	shalt  }
0x52: {  	_ =	shalt  }
0x53: {  	_ =	shalt  }
0x54: {  	_ =	shalt  }
0x55: {  	_ =	shalt  }
0x56: {  	_ =	shalt  }
0x57: {  	_ =	shalt  }
0x58: {  	_ =	shalt  }
0x59: {  	_ =	shalt  }
0x5a: {  	_ =	shalt  }
0x5b: {  	_ =	shalt  }
0x5c: {  	_ =	shalt  }
0x5d: {  	_ =	shalt  }
0x5e: {  	_ =	shalt  }
0x5f: {  	_ =	shalt  }
0x60: {  	_ =	shalt  }
0x61: {  	_ =	shalt  }
0x62: {  	_ =	shalt  }
0x63: {  	_ =	shalt  }
0x64: {  	_ =	shalt  }
0x65: {  	_ =	shalt  }
0x66: {  	_ =	shalt  }
0x67: {  	_ =	shalt  }
0x68: {  	_ =	shalt  }
0x69: {  	_ =	shalt  }
0x6a: {  	_ =	shalt  }
0x6b: {  	_ =	shalt  }
0x6c: {  	_ =	shalt  }
0x6d: {  	_ =	shalt  }
0x6e: {  	_ =	shalt  }
0x6f: {  	_ =	shalt  }
0x70: {  	_ =	shalt  }
0x71: {  	_ =	shalt  }
0x72: {  	_ =	shalt  }
0x73: {  	_ =	shalt  }
0x74: {  	_ =	shalt  }
0x75: {  	_ =	shalt  }
0x76: {  	_ =	shalt  }
0x77: {  	_ =	shalt  }
0x78: {  	_ =	shalt  }
0x79: {  	_ =	shalt  }
0x7a: {  	_ =	shalt  }
0x7b: {  	_ =	shalt  }
0x7c: {  	_ =	shalt  }
0x7d: {  	_ =	shalt  }
0x7e: {  	_ =	shalt  }
0x7f: {  	_ =	shalt  }
0x80: {  	_ =	shalt  }
0x81: {  	_ =	shalt  }
0x82: {  	_ =	shalt  }
0x83: {  	_ =	shalt  }
0x84: {  	_ =	shalt  }
0x85: {  	_ =	shalt  }
0x86: {  	_ =	shalt  }
0x87: {  	_ =	shalt  }
.Lfunc_end0:
.L_simem_size_0:
called_computation_lowered:
.L_overlay_start_0:
0x88: {  	s2 =	sld [smem:$0x3FD9]  }
0x89: {  	s3 =	sld [smem:$0x3FFE];
	_ =	sdelay $0x1  }
0x8a: {  	s1 =	srdreg.scid  }
0x8b: {  	s0 =	sand.u32 $0x1, s1  }
0x8c: {  	s14 =	sshll.u32 s0, $0xA;
	s2 =	sadd.s32 s3, s2  }
0x8d: {  	s2 =	sadd.s32 s2, s14  }
0x8e: {  	[smem:$0x3FC6] =	sst s2  }
0x8f: {  	_ = 	snop  }
0x90: {  	s2 =	sld [smem:$0x3FD0];
	_ =	sdelay $0x2  }
0x91: {  	s15 =	simm.s32 $0xA;
	s4 =	simm.s32 $0x10  }
0x92: {  	[smem:s4], [sflag:s15] =	dma.local [hbm:s2], $0x1  }
0x93: {  	_ =	swait.eq [sflag:s15], $0x1  }
0x94: {  	[sflag:s15] =	ssyncset.done $0x0  }
0x95: {  	[sflag:s15] =	ssyncadd.s32 $0xFFFFFFFF  }
0x96: {  	s16 =	sld [smem:$0x10];
	(tm) =	ssettm $0x1  }
0x97: {  	s17 =	sld [smem:$0x3FFB];
	_ =	sdelay $0x3  }
0x98: {  	_ =	strace s17  }
0x99: {  	s3 =	sld [smem:$0x3FFC];
	_ =	sdelay $0x3  }
0x9a: {  	_ =	strace s3  }
0x9b: {  	s3 =	sld [smem:$0x3FFD];
	_ =	sdelay $0x3  }
0x9c: {  	_ =	strace s3  }
0x9d: {  	_ =	strace $0x8FFFFFFF  }
0x9e: {  	s18 =	sld [smem:$0x3FDB];
	_ =	sdelay $0x1  }
0x9f: {  	s19 =	simm.s32 $_scs_section_size  }
0xa0: {  	s5 =	simm.s32 $_size__tile_overlayer_lowered;
	s6 =	simm.s32 $_tile_overlayer_lowered  }
0xa1: {  	s22 =	simm.s32 $0x1BFF;
	s21 =	sshll.u32 s6, $0x1;
	s3 =	sadd.s32 s19, s18  }
0xa2: {  	s7 =	simm.s32 $0x0;
	s20 =	sshll.u32 s5, $0x1;
	s5 =	sadd.s32 s21, s3  }
0xa3: {  	[timem:s7], [sflag:s22] =	dma.local [hbm:s5], s20  }
0xa4: {  	_ =	swait.ge [sflag:s22], s20  }
0xa5: {  	s4 =	ssub.s32 $0x0, s20;
	[sflag:s22] =	ssyncset.done $0x0  }
0xa6: {  	[sflag:s22] =	ssyncadd.s32 s4;
	_ =	sdelay $0x1  }
0xa7: {  	s23 =	simm.s32 $0x1B8B  }
0xa8: {  	_ =	swait.ge [sflag:s23], $0x1  }
0xa9: {  	[sflag:s23] =	ssyncset.done $0x0  }
0xaa: {  	s25 =	simm.s32 $0x1B8E;
	s24 =	sld [smem:$0x3FFE];
	[sflag:s23] =	ssyncadd.s32 $0xFFFFFFFF  }
0xab: {  	s26 =	simm.s32 $execute0_lowered;
	[smem:$0x3FD2] =	sst s25  }
0xac: {  	s5 =	sshll.u32 s26, $0x1;
	_ =	strace $0x80000046;
	[dreg:$0x1] =	wrdreg $0xFFFFFFFF  }
0xad: {  	s28 =	simm.s32 $_size_execute0_lowered;
	s3 =	sadd.s32 s3, s5;
	[dreg:$0x0] =	wrdreg $0x0  }
0xae: {  	s5 =	sshll.u32 s28, $0x1;
	[dreg:$0x2] =	wrdreg s3  }
0xaf: {  	[dreg:$0x3] =	wrdreg s5  }
0xb0: {  	[dreg:$0x4] =	wrdreg $0xC0  }
0xb1: {  	_ =	task [dreg:s7], $0x5FFFF  }
0xb2: {  	[dreg:$0x1] =	wrdreg $0xFFFFFFFF  }
0xb3: {  	[dreg:$0x0] =	wrdreg $0x60  }
0xb4: {  	[dreg:$0x2] =	wrdreg s16  }
0xb5: {  	[dreg:$0x3] =	wrdreg s24  }
0xb6: {  	[dreg:$0x4] =	wrdreg $0x9  }
0xb7: {  	_ =	task.clear_ibuf [dreg:s7], $0x5FFFF;
	_ =	strace $0x90000046  }
0xb8: {  	s29 =	simm.s32 $0x9;
	_ =	strace $0x80000048  }
0xb9: {  	_ =	swait.ge [sflag:s29], $0x1  }
0xba: {  	[sflag:s29] =	ssyncadd.s32 $0xFFFFFFFF  }
0xbb: {  	_ =	strace $0x90000048  }
0xbc: {  	_ =	sfence  }
0xbd: {  	s30 =	sld [smem:$0x0];
	_ =	sdelay $0x2  }
0xbe: {  	s31 =	sshll.u32 s1, $0xD;
	s1 =	sshrl.u32 s1, $0x2  }
0xbf: {  	s3 =	sand.u32 $0x4000, s31;
	s1 =	sadd.s32 s1, s30  }
0xc0: {  	s0 =	sor.u32 s3, s0;
	s1 =	sshll.u32 s1, $0x11  }
0xc1: {  	s0 =	sor.u32 s1, s0  }
0xc2: {  	s0 =	sadd.s32 $0x8F2B, s0  }
0xc3: {  	[sflag:s0] =	ssyncadd.remote.s32 $0x1  }
0xc4: {  	_ =	sfence.sel $0xFFFF  }
0xc5: {  	[dreg:$0x0] =	wrdreg $0xFFFFFFFF;
	(pc) =	sbr.abs _section_cstart, $3  }
0xc6: {  	[dreg:$0x1] =	wrdreg $0xFFFFFFFF  }
0xc7: {  	_ =	task.clear_ibuf [dreg:s7], $0x2FFFF;
	_ =	strace $0x9FFFFFFF  }
0xc8: {  	(tm) =	ssettm $0x7FFFFFFF  }
0xc9: {  	_ =	shalt  }
tec
execute0_lowered:
.L_overlay_start_1:
0x0: {  	(tag) =	ssettag $0x1  }
0x1: {  	s2 =	rddreg [dreg:$0x0]  }
0x2: {  	s1 =	srdreg.scid;
	s0 =	stileid.u32  }
0x3: {  	s9 =	rddreg [dreg:$0x1];
	s10 =	sand.u32 $0x1, s1;
	s4 =	sshll.u32 s0, $0x1  }
0x4: {  	s3 =	simm.s32 $0x0;
	s1 =	rddreg [dreg:$0x2];
	s8 =	sor.u32 s10, s4  }
0x5: {  	[smem:$0x7FF] =	sst s3;
	s4 =	sshll.u32 s8, $0x5  }
0x6: {  	_ =	strace $0x80000047;
	s5 =	sadd.s32 s9, s4;
	s4 =	simm.s32 $0x2  }
0x7: {  	[tilespmem:s3], [sflag:$0x2] =	stream.linear.gather [hbm4b:s5+s3], $0x80, $0x38;
	[tilespmem:$0x1080] =	vst v63  }
0x8: {  	_ =	swait.ge [sflag:s4], $0x80  }
0x9: {  	[sflag:s4] =	ssyncset.done $0x0  }
0xa: {  	s6 =	simm.s32 $0x80;
	s7 =	simm.s32 $0x1;
	[sflag:s4] =	ssyncadd.s32 $0xFFFFFF80  }
0xb: {  	[tilespmem:s6], [sflag:$0x1] =	stream.indirect.gather [hbm4b:s2+s6], $0x20, s3, s6, $0xb8;
	[tilespmem:$0x1080] =	vst v63  }
0xc: {  	_ =	swait.ge [sflag:s7], $0x1000  }
0xd: {  	s11 =	sadd.s32 $0x400, s9;
	s12 =	sshll.u32 s8, $0xA;
	[sflag:s7] =	ssyncset.done $0x0  }
0xe: {  	s13 =	sshll.u32 s8, $0x8;
	s8 =	sadd.s32 s11, s12;
	[sflag:s7] =	ssyncadd.s32 $0xFFFFF000  }
0xf: {  	[hbm4b:s8+s3] =	stream.linear.scatter [tilespmem:s6], [sflag:$0x2], $0x1000, $0x38;
	[tilespmem:$0x1080] =	vst v63  }
0x10: {  	s28 =	sor.u32 $0x80, s13;
	_ =	swait.ge [sflag:s4], $0x1000  }
0x11: {  	s13 =	sshrl.u32 s28, $0x3;
	[sflag:s4] =	ssyncset.done $0x0  }
0x12: {  	s10 =	ssub.s32 $0x2, s10;
	s9 =	sadd.s32 s9, s13;
	[sflag:s4] =	ssyncadd.s32 $0xFFFFF000  }
0x13: {  	[tilespmem:s3], [sflag:$0x2] =	stream.linear.gather [hbm4b:s9+s3], $0x80, $0x38;
	[tilespmem:$0x1080] =	vst v63  }
0x14: {  	s29 =	sshrl.u32 s10, $0x1;
	_ =	swait.ge [sflag:s4], $0x80  }
0x15: {  	s13 =	ssub.s32 s10, s29;
	[sflag:s4] =	ssyncset.done $0x0  }
0x16: {  	s31 =	smax.u32 s13, $0x1;
	[sflag:s4] =	ssyncadd.s32 $0xFFFFFF80  }
0x17: {  	[tilespmem:s6], [sflag:$0x1] =	stream.indirect.gather [hbm4b:s2+s6], $0x20, s3, s6, $0xb8;
	[tilespmem:$0x1080] =	vst v63  }
0x18: {  	p0 =	sne.s32 s31, $0x1;
	_ =	swait.ge [sflag:s7], $0x1000  }
.Ltmp0:
0x19: {  	s30 =	sshll.u32 s28, $0x2;
	[sflag:s7] =	ssyncset.done $0x0;
	(pc) =	sbr.rel @!p0 .LBB2_2-.Ltmp0, $4  }
0x1a: {  	s10 =	sadd.s32 s11, s30;
	[sflag:s7] =	ssyncadd.s32 $0xFFFFF000  }
0x1b: {  	[hbm4b:s10+s3] =	stream.linear.scatter [tilespmem:s6], [sflag:$0x2], $0x1000, $0x38;
	[tilespmem:$0x1080] =	vst v63  }
0x1c: {  	_ =	swait.ge [sflag:s4], $0x1000  }
0x1d: {  	s11 =	sadd.s32 $0xFFFFFFFF, s31;
	[sflag:s4] =	ssyncset.done $0x0  }
.LBB2_1:
0x1e: {  	p0 =	sne.s32 s11, $0x1;
	s11 =	sadd.s32 $0xFFFFFFFF, s11;
	[sflag:s4] =	ssyncadd.s32 $0xFFFFF000  }
0x1f: {  	[tilespmem:s3], [sflag:$0x2] =	stream.linear.gather [hbm4b:s5+s3], $0x80, $0x38;
	[tilespmem:$0x1080] =	vst v63  }
0x20: {  	_ =	swait.ge [sflag:s4], $0x80  }
0x21: {  	[sflag:s4] =	ssyncset.done $0x0  }
0x22: {  	[sflag:s4] =	ssyncadd.s32 $0xFFFFFF80  }
0x23: {  	[tilespmem:s6], [sflag:$0x1] =	stream.indirect.gather [hbm4b:s2+s6], $0x20, s3, s6, $0xb8;
	[tilespmem:$0x1080] =	vst v63  }
0x24: {  	_ =	swait.ge [sflag:s7], $0x1000  }
0x25: {  	[sflag:s7] =	ssyncset.done $0x0  }
0x26: {  	[sflag:s7] =	ssyncadd.s32 $0xFFFFF000  }
0x27: {  	[hbm4b:s8+s3] =	stream.linear.scatter [tilespmem:s6], [sflag:$0x2], $0x1000, $0x38;
	[tilespmem:$0x1080] =	vst v63  }
0x28: {  	_ =	swait.ge [sflag:s4], $0x1000  }
0x29: {  	[sflag:s4] =	ssyncset.done $0x0  }
0x2a: {  	[sflag:s4] =	ssyncadd.s32 $0xFFFFF000  }
0x2b: {  	[tilespmem:s3], [sflag:$0x2] =	stream.linear.gather [hbm4b:s9+s3], $0x80, $0x38;
	[tilespmem:$0x1080] =	vst v63  }
0x2c: {  	_ =	swait.ge [sflag:s4], $0x80  }
0x2d: {  	[sflag:s4] =	ssyncset.done $0x0  }
0x2e: {  	[sflag:s4] =	ssyncadd.s32 $0xFFFFFF80  }
0x2f: {  	[tilespmem:s6], [sflag:$0x1] =	stream.indirect.gather [hbm4b:s2+s6], $0x20, s3, s6, $0xb8;
	[tilespmem:$0x1080] =	vst v63  }
0x30: {  	_ =	swait.ge [sflag:s7], $0x1000  }
.Ltmp1:
0x31: {  	[sflag:s7] =	ssyncset.done $0x0;
	(pc) =	sbr.rel @p0 .LBB2_1-.Ltmp1, $4  }
0x32: {  	[sflag:s7] =	ssyncadd.s32 $0xFFFFF000  }
0x33: {  	[hbm4b:s10+s3] =	stream.linear.scatter [tilespmem:s6], [sflag:$0x2], $0x1000, $0x38;
	[tilespmem:$0x1080] =	vst v63  }
0x34: {  	_ =	swait.ge [sflag:s4], $0x1000  }
0x35: {  	[sflag:s4] =	ssyncset.done $0x0  }
.LBB2_2:
0x36: {  	[sflag:s4] =	ssyncadd.s32 $0xFFFFF000  }
0x37: {  	_ =	sfence.sel $0x180000  }
0x38: {  	[bflag:$0x0] =	sbarrier.arrive $0xFFFF  }
0x39: {  	p0 =	sne.s32 s0, $0x0;
	_ =	strace $0x90000047  }
0x3a: {  	s0 =	sadd.s32 @!p0 $0x100000, s1;
	[bflag:$0x2] =	sbarrier.arrive $0xFFFF  }
0x3b: {  	[sflag:s0] =	ssyncadd.tile.s32 @!p0 $0x1;
	_ =	shalt  }
.Lfunc_end2:
_tile_overlayer_lowered:
.L_overlay_start_2:
0x3c: {  	(tag) =	ssettag $0x2  }
0x3d: {  	s0 =	rddreg [dreg:$0x0];
	s2 =	stileid.u32  }
0x3e: {  	s1 =	rddreg [dreg:$0x1];
	p0 =	sne.s32 s2, $0x0  }
0x3f: {  	s3 =	rddreg [dreg:$0x2];
	[bflag:$0x3] =	sbarrier.arrive $0xFFFF;
	s2 =	simm.s32 @!p0 $0x1C02  }
0x40: {  	[timem:s3], [sflag:s2] =	dma.local @!p0 [hbm:s0], s1  }
0x41: {  	s0 =	simm.s32 @!p0 $0x2  }
0x42: {  	_ =	swait.ge @!p0 [sflag:s0], s1  }
0x43: {  	s1 =	ssub.s32 @!p0 $0x0, s1;
	[sflag:s0] =	ssyncset.done @!p0 $0x0  }
0x44: {  	[sflag:s0] =	ssyncadd.s32 @!p0 s1  }
0x45: {  	[bflag:$0x3] =	sbarrier.arrive $0xFFFF  }
0x46: {  	_ =	shalt  }

</sc_bundles>
